<compile_context>
chip_gen: v7x
topology: tpu7x:2x2x1
jax: 0.10.2.dev20260603
libtpu: 0.0.44.dev20260713+nightly
codegen_flags: <defaults>
</compile_context>

<pallas_src>
import jax
import jax.numpy as jnp
from jax import lax
from jax.experimental import pallas as pl

BB = 16


def _posenc_block(ts_ref, emb_ref, out_ref):
    t = ts_ref[...]
    bb, hist = t.shape
    expand = emb_ref.shape[1]
    tk = t[:, :, None]
    tj = t[:, None, :]
    kk2 = lax.broadcasted_iota(jnp.int32, (hist, hist), 0)
    jj2 = lax.broadcasted_iota(jnp.int32, (hist, hist), 1)
    tri = (kk2 < jj2)[None]
    c = ((tk < tj) | ((tk <= tj) & tri)).astype(jnp.int32)
    rank = jnp.sum(c, axis=1)
    hq = hist // 4
    e = emb_ref[...]
    rank_b = jnp.repeat(rank, hq, axis=0)
    ih4 = (lax.broadcasted_iota(jnp.int32, (bb * hq, 1), 0) % hq) * 4
    outs = []
    for il in range(4):
        m_il = (rank_b == ih4 + il).astype(jnp.float32)
        outs.append(jnp.dot(m_il, e, preferred_element_type=jnp.float32))
    out_ref[...] = jnp.concatenate(outs, axis=1)


def kernel(ts, pos_embeddings):
    batch, hist = ts.shape
    seq_len, expand = pos_embeddings.shape
    hq = hist // 4
    flat = pl.pallas_call(
        _posenc_block,
        grid=(batch // BB,),
        in_specs=[
            pl.BlockSpec((BB, hist), lambda i: (i, 0)),
            pl.BlockSpec((seq_len, expand), lambda i: (0, 0)),
        ],
        out_specs=pl.BlockSpec((BB * hq, 4 * expand), lambda i: (i, 0)),
        out_shape=jax.ShapeDtypeStruct((batch * hq, 4 * expand),
                                       jnp.float32),
    )(ts, pos_embeddings)
    return flat.reshape(batch, hist, expand)

# --- scband reference (transcript-rebuilt; emitter-appended) ---
"""Pipeline reference for scband-pos-encode-2302102471369 (READ-ONLY COPY).

The authoritative reference and input builder live on the scoring server;
editing this copy changes nothing except your own understanding.
"""

import jax, jax.numpy as jnp
import numpy as np

BATCH = 16384
HIST = 200
EXPAND_DIM = 32
SEQ_LEN = 200

def setup_inputs(seed: int = 0) -> dict:
    key = jax.random.key(seed)
    k_ts, k_emb = jax.random.split(key)
    ts = jax.random.uniform(k_ts, (BATCH, HIST), dtype=jnp.float32)
    pos_embeddings = jax.random.normal(k_emb, (SEQ_LEN, EXPAND_DIM), dtype=jnp.float32)
    return {"ts": ts, "pos_embeddings": pos_embeddings}

def reference(ts, pos_embeddings):
    # order = ts.argsort() along last dim (same as torch default dim=-1)
    order = jnp.argsort(ts, axis=-1)
    # nn.Embedding lookup -> gather rows of the table
    ts_emb = jnp.take(pos_embeddings, order, axis=0)
    return ts_emb

if __name__ == "__main__":
    import jax
    _d = setup_inputs()
    print(jax.jit(kernel)(*tuple(_d.values())))

</pallas_src>

<mosaic_0001>
module attributes {stable_mosaic.version = 14 : i64} {
  func.func @_posenc_block(%arg0: i32, %arg1: memref<16x200xf32, #tpu.memory_space<vmem>>, %arg2: memref<200x32xf32, #tpu.memory_space<vmem>>, %arg3: memref<800x128xf32, #tpu.memory_space<vmem>>) attributes {dimension_semantics = [#tpu.dimension_semantics<arbitrary>], iteration_bounds = array<i64: 1024>, scalar_prefetch = 0 : i64, scratch_operands = 0 : i64, tpu.core_type = #tpu.core_type<tc>, window_params = [{transform_indices = @transform_0, window_bounds = array<i64: 16, 200>}, {pipeline_mode = #tpu.pipeline_mode<synchronous>, transform_indices = @transform_1, window_bounds = array<i64: 200, 32>}, {transform_indices = @transform_2, window_bounds = array<i64: 800, 128>}]} {
    %get3A = arith.constant 0 : index
    %get3A_0 = arith.constant 0 : index
    %get3A_1 = vector.load %arg1[%get3A, %get3A_0] : memref<16x200xf32, #tpu.memory_space<vmem>>, vector<16x200xf32>
    %broadcast_in_dim3A = vector.shape_cast %get3A_1 : vector<16x200xf32> to vector<16x200x1xf32>
    %broadcast_in_dim3A_2 = vector.shape_cast %get3A_1 : vector<16x200xf32> to vector<16x1x200xf32>
    %iota3A = tpu.iota {dimensions = array<i32: 0>} : vector<200x200xi32>
    %iota3A_3 = tpu.iota {dimensions = array<i32: 1>} : vector<200x200xi32>
    %lt3A = arith.cmpi slt, %iota3A, %iota3A_3 : vector<200x200xi32>
    %broadcast_in_dim3A_4 = vector.shape_cast %lt3A : vector<200x200xi1> to vector<1x200x200xi1>
    %lt3A_5 = vector.broadcast %broadcast_in_dim3A : vector<16x200x1xf32> to vector<16x200x200xf32>
    %lt3A_6 = vector.broadcast %broadcast_in_dim3A_2 : vector<16x1x200xf32> to vector<16x200x200xf32>
    %lt3A_7 = arith.cmpf olt, %lt3A_5, %lt3A_6 : vector<16x200x200xf32>
    %le3A = vector.broadcast %broadcast_in_dim3A : vector<16x200x1xf32> to vector<16x200x200xf32>
    %le3A_8 = vector.broadcast %broadcast_in_dim3A_2 : vector<16x1x200xf32> to vector<16x200x200xf32>
    %le3A_9 = arith.cmpf ole, %le3A, %le3A_8 : vector<16x200x200xf32>
    %and3A = vector.broadcast %broadcast_in_dim3A_4 : vector<1x200x200xi1> to vector<16x200x200xi1>
    %and3A_10 = arith.andi %le3A_9, %and3A : vector<16x200x200xi1>
    %or3A = arith.ori %lt3A_7, %and3A_10 : vector<16x200x200xi1>
    %convert_element_type3A = arith.extui %or3A : vector<16x200x200xi1> to vector<16x200x200xi32>
    %reduce_sum3A = arith.constant dense<0> : vector<16x200xi32>
    %reduce_sum3A_11 = vector.multi_reduction <add>, %convert_element_type3A, %reduce_sum3A [1] : vector<16x200x200xi32> to vector<16x200xi32>
    %get3A_12 = arith.constant 0 : index
    %get3A_13 = arith.constant 0 : index
    %get3A_14 = vector.load %arg2[%get3A_12, %get3A_13] : memref<200x32xf32, #tpu.memory_space<vmem>>, vector<200x32xf32>
    %broadcast_in_dim3A_15 = vector.shape_cast %reduce_sum3A_11 : vector<16x200xi32> to vector<16x1x200xi32>
    %broadcast_in_dim3A_16 = vector.broadcast %broadcast_in_dim3A_15 : vector<16x1x200xi32> to vector<16x50x200xi32>
    %reshape3A = vector.shape_cast %broadcast_in_dim3A_16 : vector<16x50x200xi32> to vector<800x200xi32>
    %iota3A_17 = tpu.iota {dimensions = array<i32: 0>} : vector<800x1xi32>
    %jit3A = arith.constant 50 : i32
    %eq3A = arith.constant 0 : i32
    %eq3A_18 = arith.cmpi eq, %jit3A, %eq3A : i32
    %jit3A_19 = arith.constant 1 : i32
    %select_n3A = arith.select %eq3A_18, %jit3A_19, %jit3A : i32
    %rem3A = vector.broadcast %select_n3A : i32 to vector<800x1xi32>
    %rem3A_20 = arith.remsi %iota3A_17, %rem3A : vector<800x1xi32>
    %ne3A = arith.constant 0 : i32
    %ne3A_21 = vector.broadcast %ne3A : i32 to vector<800x1xi32>
    %ne3A_22 = arith.cmpi ne, %rem3A_20, %ne3A_21 : vector<800x1xi32>
    %lt3A_23 = arith.constant 0 : i32
    %lt3A_24 = vector.broadcast %lt3A_23 : i32 to vector<800x1xi32>
    %lt3A_25 = arith.cmpi slt, %rem3A_20, %lt3A_24 : vector<800x1xi32>
    %lt3A_26 = arith.constant 0 : i32
    %lt3A_27 = arith.cmpi slt, %select_n3A, %lt3A_26 : i32
    %ne3A_28 = vector.broadcast %lt3A_27 : i1 to vector<800x1xi1>
    %ne3A_29 = vector.broadcast %ne3A_28 : vector<800x1xi1> to vector<800x1xi1>
    %ne3A_30 = arith.xori %lt3A_25, %ne3A_29 : vector<800x1xi1>
    %and3A_31 = arith.andi %ne3A_30, %ne3A_22 : vector<800x1xi1>
    %add3A = vector.broadcast %select_n3A : i32 to vector<800x1xi32>
    %add3A_32 = arith.addi %rem3A_20, %add3A : vector<800x1xi32>
    %select_n3A_33 = arith.select %and3A_31, %add3A_32, %rem3A_20 : vector<800x1xi1>, vector<800x1xi32>
    %mul3A = arith.constant 4 : i32
    %mul3A_34 = vector.broadcast %mul3A : i32 to vector<800x1xi32>
    %mul3A_35 = arith.muli %select_n3A_33, %mul3A_34 : vector<800x1xi32>
    %add3A_36 = arith.constant 0 : i32
    %add3A_37 = vector.broadcast %add3A_36 : i32 to vector<800x1xi32>
    %add3A_38 = arith.addi %mul3A_35, %add3A_37 : vector<800x1xi32>
    %eq3A_39 = vector.broadcast %add3A_38 : vector<800x1xi32> to vector<800x200xi32>
    %eq3A_40 = arith.cmpi eq, %reshape3A, %eq3A_39 : vector<800x200xi32>
    %convert_element_type3A_41 = arith.extui %eq3A_40 : vector<800x200xi1> to vector<800x200xi32>
    %convert_element_type3A_42 = arith.sitofp %convert_element_type3A_41 : vector<800x200xi32> to vector<800x200xf32>
    %dot_general3A = arith.constant dense<0.000000e+00> : vector<800x32xf32>
    %dot_general3A_43 = tpu.matmul %convert_element_type3A_42, %get3A_14, %dot_general3A {dimension_numbers = #tpu.dot_dimension_numbers<[1], [0], [0], [1], [0, 0, 1, 1], [], []>, transpose_lhs_hint = false} : vector<800x200xf32>, vector<200x32xf32>, vector<800x32xf32> -> vector<800x32xf32>
    %add3A_44 = arith.constant 1 : i32
    %add3A_45 = vector.broadcast %add3A_44 : i32 to vector<800x1xi32>
    %add3A_46 = arith.addi %mul3A_35, %add3A_45 : vector<800x1xi32>
    %eq3A_47 = vector.broadcast %add3A_46 : vector<800x1xi32> to vector<800x200xi32>
    %eq3A_48 = arith.cmpi eq, %reshape3A, %eq3A_47 : vector<800x200xi32>
    %convert_element_type3A_49 = arith.extui %eq3A_48 : vector<800x200xi1> to vector<800x200xi32>
    %convert_element_type3A_50 = arith.sitofp %convert_element_type3A_49 : vector<800x200xi32> to vector<800x200xf32>
    %dot_general3A_51 = arith.constant dense<0.000000e+00> : vector<800x32xf32>
    %dot_general3A_52 = tpu.matmul %convert_element_type3A_50, %get3A_14, %dot_general3A_51 {dimension_numbers = #tpu.dot_dimension_numbers<[1], [0], [0], [1], [0, 0, 1, 1], [], []>, transpose_lhs_hint = false} : vector<800x200xf32>, vector<200x32xf32>, vector<800x32xf32> -> vector<800x32xf32>
    %add3A_53 = arith.constant 2 : i32
    %add3A_54 = vector.broadcast %add3A_53 : i32 to vector<800x1xi32>
    %add3A_55 = arith.addi %mul3A_35, %add3A_54 : vector<800x1xi32>
    %eq3A_56 = vector.broadcast %add3A_55 : vector<800x1xi32> to vector<800x200xi32>
    %eq3A_57 = arith.cmpi eq, %reshape3A, %eq3A_56 : vector<800x200xi32>
    %convert_element_type3A_58 = arith.extui %eq3A_57 : vector<800x200xi1> to vector<800x200xi32>
    %convert_element_type3A_59 = arith.sitofp %convert_element_type3A_58 : vector<800x200xi32> to vector<800x200xf32>
    %dot_general3A_60 = arith.constant dense<0.000000e+00> : vector<800x32xf32>
    %dot_general3A_61 = tpu.matmul %convert_element_type3A_59, %get3A_14, %dot_general3A_60 {dimension_numbers = #tpu.dot_dimension_numbers<[1], [0], [0], [1], [0, 0, 1, 1], [], []>, transpose_lhs_hint = false} : vector<800x200xf32>, vector<200x32xf32>, vector<800x32xf32> -> vector<800x32xf32>
    %add3A_62 = arith.constant 3 : i32
    %add3A_63 = vector.broadcast %add3A_62 : i32 to vector<800x1xi32>
    %add3A_64 = arith.addi %mul3A_35, %add3A_63 : vector<800x1xi32>
    %eq3A_65 = vector.broadcast %add3A_64 : vector<800x1xi32> to vector<800x200xi32>
    %eq3A_66 = arith.cmpi eq, %reshape3A, %eq3A_65 : vector<800x200xi32>
    %convert_element_type3A_67 = arith.extui %eq3A_66 : vector<800x200xi1> to vector<800x200xi32>
    %convert_element_type3A_68 = arith.sitofp %convert_element_type3A_67 : vector<800x200xi32> to vector<800x200xf32>
    %dot_general3A_69 = arith.constant dense<0.000000e+00> : vector<800x32xf32>
    %dot_general3A_70 = tpu.matmul %convert_element_type3A_68, %get3A_14, %dot_general3A_69 {dimension_numbers = #tpu.dot_dimension_numbers<[1], [0], [0], [1], [0, 0, 1, 1], [], []>, transpose_lhs_hint = false} : vector<800x200xf32>, vector<200x32xf32>, vector<800x32xf32> -> vector<800x32xf32>
    %concatenate3A = tpu.concatenate %dot_general3A_43, %dot_general3A_52, %dot_general3A_61, %dot_general3A_70 in 1 : vector<800x32xf32>, vector<800x32xf32>, vector<800x32xf32>, vector<800x32xf32> -> vector<800x128xf32>
    %swap3A = arith.constant 0 : index
    %swap3A_71 = arith.constant 0 : index
    %swap3A_72 = vector.load %arg3[%swap3A, %swap3A_71] : memref<800x128xf32, #tpu.memory_space<vmem>>, vector<800x128xf32>
    tpu.vector_store %arg3[%swap3A, %swap3A_71], %concatenate3A {strides = array<i32>} : memref<800x128xf32, #tpu.memory_space<vmem>>, vector<800x128xf32>,
    return
  }
  func.func @transform_0(%arg0: i32) -> (i32, i32) {
    %c0_i32 = arith.constant 0 : i32
    %c0_i32_0 = arith.constant 0 : i32
    return %arg0, %c0_i32 : i32, i32
  }
  func.func @transform_1(%arg0: i32) -> (i32, i32) {
    %c0_i32 = arith.constant 0 : i32
    %c0_i32_0 = arith.constant 0 : i32
    %c0_i32_1 = arith.constant 0 : i32
    return %c0_i32, %c0_i32_0 : i32, i32
  }
  func.func @transform_2(%arg0: i32) -> (i32, i32) {
    %c0_i32 = arith.constant 0 : i32
    %c0_i32_0 = arith.constant 0 : i32
    return %arg0, %c0_i32 : i32, i32
  }
}

</mosaic_0001>

<sc_bundles>
// kernel: sparse-core-data-format-call.cloned.1.call-start
scs
called_computation_lowered:
.L_overlay_start_0:
0x0: {  	s2 =	sld [smem:$0x3FD9]  }
0x1: {  	s3 =	sld [smem:$0x3FFE];
	_ =	sdelay $0x1  }
0x2: {  	s1 =	srdreg.scid  }
0x3: {  	s0 =	sand.u32 $0x1, s1  }
0x4: {  	s18 =	sshll.u32 s0, $0xA;
	s2 =	sadd.s32 s3, s2  }
0x5: {  	s2 =	sadd.s32 s2, s18  }
0x6: {  	[smem:$0x3FC6] =	sst s2  }
0x7: {  	_ = 	snop  }
0x8: {  	s2 =	sld [smem:$0x3FD0];
	(tm) =	ssettm $0x1  }
0x9: {  	s19 =	sld [smem:$0x3FFB];
	_ =	sdelay $0x3  }
0xa: {  	_ =	strace s19  }
0xb: {  	s3 =	sld [smem:$0x3FFC];
	_ =	sdelay $0x3  }
0xc: {  	_ =	strace s3  }
0xd: {  	s3 =	sld [smem:$0x3FFD];
	_ =	sdelay $0x3  }
0xe: {  	_ =	strace s3  }
0xf: {  	_ =	strace $0x8FFFFFFF  }
0x10: {  	s20 =	sld [smem:$0x3FDB];
	_ =	sdelay $0x1  }
0x11: {  	s4 =	simm.s32 $_scs_section_size  }
0x12: {  	s5 =	simm.s32 $_size__tile_overlayer_lowered;
	s6 =	simm.s32 $_tile_overlayer_lowered  }
0x13: {  	s23 =	simm.s32 $0x1BFF;
	s22 =	sshll.u32 s6, $0x1;
	s3 =	sadd.s32 s4, s20  }
0x14: {  	s7 =	simm.s32 $0x0;
	s21 =	sshll.u32 s5, $0x1;
	s5 =	sadd.s32 s22, s3  }
0x15: {  	[timem:s7], [sflag:s23] =	dma.local [hbm:s5], s21  }
0x16: {  	_ =	swait.ge [sflag:s23], s21  }
0x17: {  	s4 =	ssub.s32 $0x0, s21;
	[sflag:s23] =	ssyncset.done $0x0  }
0x18: {  	[sflag:s23] =	ssyncadd.s32 s4;
	_ =	sdelay $0x1  }
0x19: {  	s24 =	simm.s32 $0x1B8B  }
0x1a: {  	_ =	swait.ge [sflag:s24], $0x1  }
0x1b: {  	[sflag:s24] =	ssyncset.done $0x0  }
0x1c: {  	s26 =	simm.s32 $0x1B8E;
	s25 =	sld [smem:$0x3FFE];
	[sflag:s24] =	ssyncadd.s32 $0xFFFFFFFF  }
0x1d: {  	s27 =	simm.s32 $execute0_lowered;
	[smem:$0x3FD2] =	sst s26  }
0x1e: {  	s5 =	sshll.u32 s27, $0x1;
	_ =	strace $0x80000046;
	[dreg:$0x1] =	wrdreg $0xFFFFFFFF  }
0x1f: {  	s28 =	simm.s32 $_size_execute0_lowered;
	s3 =	sadd.s32 s3, s5;
	[dreg:$0x0] =	wrdreg $0x0  }
0x20: {  	s5 =	sshll.u32 s28, $0x1;
	[dreg:$0x2] =	wrdreg s3  }
0x21: {  	[dreg:$0x3] =	wrdreg s5  }
0x22: {  	[dreg:$0x4] =	wrdreg $0xC0  }
0x23: {  	_ =	task [dreg:s7], $0x5FFFF  }
0x24: {  	[dreg:$0x1] =	wrdreg $0xFFFFFFFF  }
0x25: {  	[dreg:$0x0] =	wrdreg $0x60  }
0x26: {  	[dreg:$0x2] =	wrdreg s25  }
0x27: {  	[dreg:$0x3] =	wrdreg s2  }
0x28: {  	[dreg:$0x4] =	wrdreg $0x9  }
0x29: {  	_ =	task.clear_ibuf [dreg:s7], $0x5FFFF;
	_ =	strace $0x90000046  }
0x2a: {  	s29 =	simm.s32 $0x9;
	_ =	strace $0x80000048  }
0x2b: {  	_ =	swait.ge [sflag:s29], $0x1  }
0x2c: {  	[sflag:s29] =	ssyncadd.s32 $0xFFFFFFFF  }
0x2d: {  	_ =	strace $0x90000048  }
0x2e: {  	_ =	sfence  }
0x2f: {  	s30 =	sld [smem:$0x0];
	_ =	sdelay $0x2  }
0x30: {  	s31 =	sshll.u32 s1, $0xD;
	s1 =	sshrl.u32 s1, $0x2  }
0x31: {  	s3 =	sand.u32 $0x4000, s31;
	s1 =	sadd.s32 s1, s30  }
0x32: {  	s0 =	sor.u32 s3, s0;
	s1 =	sshll.u32 s1, $0x11  }
0x33: {  	s0 =	sor.u32 s1, s0  }
0x34: {  	s0 =	sadd.s32 $0x8F2B, s0  }
0x35: {  	[sflag:s0] =	ssyncadd.remote.s32 $0x1  }
0x36: {  	_ =	sfence.sel $0xFFFF  }
0x37: {  	[dreg:$0x0] =	wrdreg $0xFFFFFFFF;
	(pc) =	sbr.abs _section_cstart, $3  }
0x38: {  	[dreg:$0x1] =	wrdreg $0xFFFFFFFF  }
0x39: {  	_ =	task.clear_ibuf [dreg:s7], $0x2FFFF;
	_ =	strace $0x9FFFFFFF  }
0x3a: {  	(tm) =	ssettm $0x7FFFFFFF  }
0x3b: {  	_ =	shalt  }
tec
execute0_lowered:
.L_overlay_start_1:
0x0: {  	(tag) =	ssettag $0x1  }
0x1: {  	s0 =	srdreg.scid  }
0x2: {  	s1 =	sshll.u32 s0, $0x4  }
0x3: {  	s0 =	stileid.u32;
	s1 =	sand.u32 $0x10, s1  }
0x4: {  	s1 =	sor.u32 s0, s1  }
0x5: {  	s6 =	rddreg [dreg:$0x0];
	s4 =	simm.s32 $0x1;
	s2 =	sshll.u32 s1, $0x7  }
0x6: {  	s7 =	simm.s32 $0x2;
	s12 =	simm.s32 $0x0;
	s1 =	ssub.s32 $0x4000, s2  }
0x7: {  	s8 =	simm.s32 $0x20000;
	s13 =	simm.s32 $0x0;
	s3 =	sand.u32 $0xF80, s1  }
0x8: {  	s9 =	simm.s32 $0x0;
	s5 =	sshrl.u32 s1, $0xC;
	p0 =	sne.s32 s3, $0x0  }
.Ltmp0:
0x9: {  	s1 =	rddreg [dreg:$0x2];
	s4 =	simm.s32 @!p0 $0x0;
	(pc) =	sbr.rel .LBB1_1-.Ltmp0, $4  }
0xa: {  	s11 =	simm.s32 $0x0;
	s3 =	rddreg [dreg:$0x1];
	s5 =	sadd.s32 s4, s5  }
0xb: {  	_ =	strace $0x80000047;
	s4 =	simm.s32 $0x1;
	s5 =	smul.u32 $0xC8, s5  }
0xc: {  	s6 =	sadd.s32 $0x400, s6;
	s10 =	smov.u32 s2;
	[sflag:s4] =	ssyncpa.u1 $0x0  }
0xd: {  	p0 =	por $0x0, $0x0;
	[sflag:s7] =	ssyncpa.u1 $0x0;
	s7 =	sor.u32 $0x1, s5  }
.LBB1_4:
0xe: {  	s16 =	sshll.u32 s13, $0x3;
	s17 =	sand.u32 $0x78, s13  }
0xf: {  	s30 =	sand.u32 $0xF800, s13;
	s12 =	sshll.u32 s12, $0x10;
	s16 =	sand.u32 $0x3C00, s16  }
0x10: {  	s31 =	sand.u32 $0x7, s13;
	s16 =	sor.u32 s17, s16;
	s17 =	sadd.s32 s3, s30  }
0x11: {  	s13 =	sshll.u32 s31, $0x12;
	s16 =	sshrl.u32 s16, $0x3;
	s12 =	sadd.s32 s12, s17  }
0x12: {  	[tilespmem:s15+$0x0 ss:$0x81] =	vst.msk $0xffff, v0;
	s13 =	sor.u32 $0x400, s13;
	s12 =	sadd.s32 s16, s12  }
0x13: {  	[hbm4b:s12+s13] =	stream.strided.scatter [tilespmem:s14], [sflag:$0x2], $0x1000, s8, s13, $0x20;
	[tilespmem:$0x4040] =	vst v63  }
.LBB1_5:
0x14: {  	s14 =	sadd.s32 $0x1, s9  }
0x15: {  	s12 =	sadd.s32 $0x1000, s10;
	s16 =	smov.u32 s10;
	p2 =	sgt.s32 s14, $0xC7  }
0x16: {  	s16 =	smov.u32 @p2 s12  }
0x17: {  	s14 =	simm.s32 @p2 $0x0;
	p2 =	sgt.s32 s16, $0x3FFF  }
0x18: {  	s16 =	smov.u32 @p2 s2;
	p2 =	sne.s32 s11, s7  }
.Ltmp1:
0x19: {  	p1 =	slt.u32 s11, $0x2;
	(pc) =	sbr.rel @!p2 .LBB1_6-.Ltmp1, $4  }
0x1a: {  	s15 =	simm.s32 @!p1 $0x2  }
0x1b: {  	s13 =	smov.u32 s10;
	p0 =	por !p0, !p0;
	_ =	swait.ge @!p1 [sflag:s15], $0x1000  }
0x1c: {  	s12 =	smov.u32 s9;
	[sflag:s15] =	ssyncset.done @!p1 $0x0;
	s9 =	smov.u32 s14  }
0x1d: {  	s11 =	sadd.s32 $0x1, s11;
	[sflag:s15] =	ssyncadd.s32 @!p1 $0xFFFFF000;
	s10 =	smov.u32 s16  }
.LBB1_1:
0x1e: {  	p1 =	sge.u32 s11, s5  }
0x1f: {  	s14 =	sand.u32 @!p1 $0x1FFFFFF, s9  }
0x20: {  	s15 =	smulhi.u32 @!p1 $0x147AE15, s14;
	_ =	sdelay $0x1  }
0x21: {  	s15 =	smul.u32 @!p1 $0xC8, s15  }
0x22: {  	s16 =	sxor.u32 @!p1 $0xFFFFFFFF, s11;
	s17 =	smul.u32 @!p1 $0xC80, s10  }
0x23: {  	s31 =	sadd.s32 $0xFFFFFFFF, s11;
	s16 =	sshll.u32 @!p1 s16, $0xC;
	s14 =	ssub.s32 @!p1 s14, s15  }
0x24: {  	s15 =	sand.u32 @!p1 $0x1000, s16;
	s16 =	sadd.s32 @!p1 s6, s17;
	s14 =	sshll.u32 @!p1 s14, $0x4  }
0x25: {  	s17 =	simm.s32 @!p1 $0x6400;
	s14 =	sadd.s32 @!p1 s14, s16;
	s16 =	simm.s32 @!p1 $0x20  }
0x26: {  	[tilespmem:s15], [sflag:$0x1] =	stream.strided.gather @!p1 [hbm4b:s14+s16], $0x1000, s17, s16, $0x38;
	[tilespmem:$0x4040] =	vst v63  }
0x27: {  	p1 =	sge.u32 s31, s5  }
.Ltmp2:
0x28: {  	_ = 	snop;
	(pc) =	sbr.rel @p1 .LBB1_5-.Ltmp2, $1  }
0x29: {  	_ =	sdelay $0x3  }
0x2a: {  	s14 =	simm.s32 $0x1  }
0x2b: {  	_ =	swait.ge [sflag:s4], $0x1000;
	s14 =	simm.s32 @!p0 $0x0  }
0x2c: {  	[sflag:s4] =	ssyncset.done $0x0;
	s15 =	sshll.u32 s14, $0xC  }
0x2d: {  	[sflag:s4] =	ssyncadd.s32 $0xFFFFF000;
	s18 =	sor.u32 $0x10, s15  }
0x2e: {  	s14 =	smul.u32 $0x4080, s14;
	v1 =	vld [tilespmem:s18+$0x0]  }
0x2f: {  	s30 =	sand.u32 $0x1, s11;
	v0 =	vld [tilespmem:s18+$0xFFFFFFF0]  }
0x30: {  	s15 =	smul.u32 $0x4080, s30;
	s14 =	sshrl.u32 s14, $0x2  }
0x31: {  	s16 =	sor.u32 $0x2000, s14  }
0x32: {  	s31 =	sshrl.u32 s15, $0x2;
	s15 =	sadd.s32 $0x0, s16  }
0x33: {  	s17 =	simm.s32 $0x4;
	s18 =	sadd.s32 $0x20, s18;
	s14 =	sor.u32 $0x2000, s31;
	[tilespmem:s15+$0x810 ss:$0x81] =	vst.msk $0xffff, v1  }
.LBB1_3:
0x34: {  	v1 =	vld [tilespmem:s18+$0x0];
	p1 =	sne.s32 s17, $0x1FC;
	[tilespmem:s15+$0x0 ss:$0x81] =	vst.msk $0xffff, v0;
	s15 =	smov.u32 s17;
	s17 =	sadd.s32 $0x4, s17  }
.Ltmp3:
0x35: {  	v0 =	vld [tilespmem:s18+$0xFFFFFFF0];
	(pc) =	sbr.rel @p1 .LBB1_3-.Ltmp3, $4  }
0x36: {  	_ = 	snop  }
0x37: {  	s15 =	sshra.s32 s15, $0x2  }
0x38: {  	s15 =	sadd.s32 s15, s16  }
0x39: {  	s18 =	sadd.s32 $0x20, s18;
	[tilespmem:s15+$0x810 ss:$0x81] =	vst.msk $0xffff, v1  }
.Ltmp4:
0x3a: {  	_ = 	snop;
	(pc) =	sbr.rel .LBB1_4-.Ltmp4, $1  }
0x3b: {  	_ =	sdelay $0x3  }
.LBB1_6:
0x3c: {  	_ =	sfence.sel $0x180000  }
0x3d: {  	s2 =	simm.s32 $0x1;
	[bflag:$0x0] =	sbarrier.arrive $0xFFFF  }
0x3e: {  	s31 =	simm.s32 $0x2;
	[sflag:s2] =	ssyncpa.u1 $0x1  }
0x3f: {  	[sflag:s31] =	ssyncpa.u1 $0x1  }
0x40: {  	p0 =	sne.s32 s0, $0x0;
	_ =	strace $0x90000047  }
0x41: {  	s0 =	sadd.s32 @!p0 $0x100000, s1;
	[bflag:$0x2] =	sbarrier.arrive $0xFFFF  }
0x42: {  	[sflag:s0] =	ssyncadd.tile.s32 @!p0 $0x1;
	_ =	shalt  }
.Lfunc_end1:
_tile_overlayer_lowered:
.L_overlay_start_2:
0x43: {  	(tag) =	ssettag $0x2  }
0x44: {  	s0 =	rddreg [dreg:$0x0];
	s2 =	stileid.u32  }
0x45: {  	s1 =	rddreg [dreg:$0x1];
	p0 =	sne.s32 s2, $0x0  }
0x46: {  	s3 =	rddreg [dreg:$0x2];
	[bflag:$0x3] =	sbarrier.arrive $0xFFFF;
	s2 =	simm.s32 @!p0 $0x1C01  }
0x47: {  	[timem:s3], [sflag:s2] =	dma.local @!p0 [hbm:s0], s1  }
0x48: {  	s0 =	simm.s32 @!p0 $0x1  }
0x49: {  	_ =	swait.ge @!p0 [sflag:s0], s1  }
0x4a: {  	s1 =	ssub.s32 @!p0 $0x0, s1;
	[sflag:s0] =	ssyncset.done @!p0 $0x0  }
0x4b: {  	[sflag:s0] =	ssyncadd.s32 @!p0 s1  }
0x4c: {  	[bflag:$0x3] =	sbarrier.arrive $0xFFFF  }
0x4d: {  	_ =	shalt  }

</sc_bundles>
